<compile_context>
chip_gen: v7x
topology: tpu7x:2x2x1
jax: 0.10.2.dev20260603
libtpu: 0.0.44.dev20260713+nightly
codegen_flags: <defaults>
</compile_context>

<pallas_src>
import functools

import jax
import jax.numpy as jnp
from jax import lax
from jax.experimental import pallas as pl
from jax.experimental.pallas import tpu as pltpu
from jax.experimental.pallas import tpu_sc as plsc

MEM_ROWS = 100000
BATCH_ROWS = 16384
DIM = 128
NUM_WORKERS = 32
EMB_PER_W = BATCH_ROWS // NUM_WORKERS
TAIL_ROWS = MEM_ROWS - BATCH_ROWS
TAIL_PER_W = (TAIL_ROWS // NUM_WORKERS) // 8 * 8
REM_BASE = BATCH_ROWS + NUM_WORKERS * TAIL_PER_W
REM_ROWS = MEM_ROWS - REM_BASE
REM_CHUNK = 8
REM_WORKERS = REM_ROWS // REM_CHUNK

_mesh = plsc.VectorSubcoreMesh(core_axis_name="c", subcore_axis_name="s")


@functools.partial(
    pl.kernel,
    mesh=_mesh,
    out_type=(
        jax.ShapeDtypeStruct((MEM_ROWS, DIM), jnp.float32),
        jax.ShapeDtypeStruct((MEM_ROWS, DIM), jnp.float32),
    ),
    scratch_types=[
        pltpu.SemaphoreType.DMA,
        pltpu.SemaphoreType.DMA,
        pltpu.SemaphoreType.DMA,
        pltpu.SemaphoreType.DMA,
        pltpu.SemaphoreType.DMA,
        pltpu.SemaphoreType.DMA,
    ],
)
def _bank_update(emb_ta, emb_tv, bank_ta, bank_tv, out_ta, out_tv,
                 sem0, sem1, sem2, sem3, sem4, sem5):
    wid = lax.axis_index("s") * 2 + lax.axis_index("c")
    e0 = wid * EMB_PER_W
    t0 = BATCH_ROWS + wid * TAIL_PER_W
    r0 = REM_BASE + wid * REM_CHUNK
    c0 = pltpu.make_async_copy(
        emb_ta.at[pl.ds(e0, EMB_PER_W)], out_ta.at[pl.ds(e0, EMB_PER_W)], sem0)
    c1 = pltpu.make_async_copy(
        emb_tv.at[pl.ds(e0, EMB_PER_W)], out_tv.at[pl.ds(e0, EMB_PER_W)], sem1)
    c2 = pltpu.make_async_copy(
        bank_ta.at[pl.ds(t0, TAIL_PER_W)], out_ta.at[pl.ds(t0, TAIL_PER_W)], sem2)
    c3 = pltpu.make_async_copy(
        bank_tv.at[pl.ds(t0, TAIL_PER_W)], out_tv.at[pl.ds(t0, TAIL_PER_W)], sem3)
    c0.start()
    c1.start()
    c2.start()
    c3.start()

    @pl.when(wid < REM_WORKERS)
    def _rem():
        c4 = pltpu.make_async_copy(
            bank_ta.at[pl.ds(r0, REM_CHUNK)], out_ta.at[pl.ds(r0, REM_CHUNK)],
            sem4)
        c5 = pltpu.make_async_copy(
            bank_tv.at[pl.ds(r0, REM_CHUNK)], out_tv.at[pl.ds(r0, REM_CHUNK)],
            sem5)
        c4.start()
        c5.start()
        c4.wait()
        c5.wait()

    c0.wait()
    c1.wait()
    c2.wait()
    c3.wait()


def kernel(embeddings_ta_neg, embeddings_tv_neg, memory_bank_ta, memory_bank_tv):
    return _bank_update(embeddings_ta_neg, embeddings_tv_neg,
                        memory_bank_ta, memory_bank_tv)

# --- scband reference (transcript-rebuilt; emitter-appended) ---
"""Pipeline reference for scband-memory-bank-79860621902670 (READ-ONLY COPY).

The authoritative reference and input builder live on the scoring server;
editing this copy changes nothing except your own understanding.
"""

import jax, jax.numpy as jnp
import numpy as np

MEMORY_SIZE = 100000
EMBEDDING_DIM = 128
BATCH = 16384


def setup_inputs(seed: int = 0) -> dict:
    key = jax.random.key(seed)
    k1, k2 = jax.random.split(key)
    return {
        "embeddings_ta_neg": jax.random.normal(k1, (BATCH, EMBEDDING_DIM), dtype=jnp.float32),
        "embeddings_tv_neg": jax.random.normal(k2, (BATCH, EMBEDDING_DIM), dtype=jnp.float32),
        # Learned/stateful buffers: the two memory banks (initialized like torch.empty -> use zeros for determinism)
        "memory_bank_ta": jnp.zeros((MEMORY_SIZE, EMBEDDING_DIM), dtype=jnp.float32),
        "memory_bank_tv": jnp.zeros((MEMORY_SIZE, EMBEDDING_DIM), dtype=jnp.float32),
    }


def reference(embeddings_ta_neg, embeddings_tv_neg, memory_bank_ta, memory_bank_tv):
    # Faithful translation of MemoryBank.update with memory_cursor=0 (fresh bank state).
    batch_size = embeddings_ta_neg.shape[0]
    memory_cursor = 0
    if memory_cursor + batch_size > MEMORY_SIZE:
        memory_cursor = 0
    # slice-overwrite into the banks (scatter-overwrite)
    new_ta = jax.lax.dynamic_update_slice(memory_bank_ta, embeddings_ta_neg, (memory_cursor, 0))
    new_tv = jax.lax.dynamic_update_slice(memory_bank_tv, embeddings_tv_neg, (memory_cursor, 0))
    # get_all() semantics: return both banks after the update
    return (new_ta, new_tv)

if __name__ == "__main__":
    import jax
    _d = setup_inputs()
    print(jax.jit(kernel)(*tuple(_d.values())))

</pallas_src>

<mosaic_0001>
#map = affine_map<(d0, d1) -> (0, 0)>
module attributes {stable_mosaic.version = 14 : i64} {
  func.func @_bank_update(%arg0: i32, %arg1: i32, %arg2: memref<16384x128xf32, #tpu.memory_space<hbm>>, %arg3: memref<16384x128xf32, #tpu.memory_space<hbm>>, %arg4: memref<100000x128xf32, #tpu.memory_space<hbm>>, %arg5: memref<100000x128xf32, #tpu.memory_space<hbm>>, %arg6: memref<100000x128xf32, #tpu.memory_space<hbm>>, %arg7: memref<100000x128xf32, #tpu.memory_space<hbm>>, %arg8: memref<!tpu.dma_semaphore, #tpu.memory_space<semaphore_mem>>, %arg9: memref<!tpu.dma_semaphore, #tpu.memory_space<semaphore_mem>>, %arg10: memref<!tpu.dma_semaphore, #tpu.memory_space<semaphore_mem>>, %arg11: memref<!tpu.dma_semaphore, #tpu.memory_space<semaphore_mem>>, %arg12: memref<!tpu.dma_semaphore, #tpu.memory_space<semaphore_mem>>, %arg13: memref<!tpu.dma_semaphore, #tpu.memory_space<semaphore_mem>>) attributes {dimension_semantics = [#tpu.dimension_semantics<core_parallel>, #tpu.dimension_semantics<subcore_parallel>], iteration_bounds = array<i64: 2, 16>, scalar_prefetch = 0 : i64, scratch_operands = 6 : i64, tpu.core_type = #tpu.core_type<sc_vector_subcore>, window_params = [{transform_indices = #map}, {transform_indices = #map}, {transform_indices = #map}, {transform_indices = #map}, {transform_indices = #map}, {transform_indices = #map}]} {
    %mul3A = arith.constant 2 : i32
    %mul3A_0 = arith.muli %arg1, %mul3A : i32
    %add3A = arith.addi %mul3A_0, %arg0 : i32
    %mul3A_1 = arith.constant 512 : i32
    %mul3A_2 = arith.muli %add3A, %mul3A_1 : i32
    %mul3A_3 = arith.constant 2608 : i32
    %mul3A_4 = arith.muli %add3A, %mul3A_3 : i32
    %add3A_5 = arith.constant 16384 : i32
    %add3A_6 = arith.addi %add3A_5, %mul3A_4 : i32
    %mul3A_7 = arith.constant 8 : i32
    %mul3A_8 = arith.muli %add3A, %mul3A_7 : i32
    %add3A_9 = arith.constant 99840 : i32
    %add3A_10 = arith.addi %add3A_9, %mul3A_8 : i32
    %dma_start3A = arith.constant 0 : i32
    %dma_start3A_11 = tpu.memref_slice %arg6[%mul3A_2, %dma_start3A] : memref<100000x128xf32, #tpu.memory_space<hbm>> -> memref<512x128xf32, #tpu.memory_space<hbm>>
    %dma_start3A_12 = arith.constant 0 : i32
    %dma_start3A_13 = tpu.memref_slice %arg2[%mul3A_2, %dma_start3A_12] : memref<16384x128xf32, #tpu.memory_space<hbm>> -> memref<512x128xf32, #tpu.memory_space<hbm>>
    tpu.enqueue_dma source(%dma_start3A_13 : memref<512x128xf32, #tpu.memory_space<hbm>>) target(%dma_start3A_11 : memref<512x128xf32, #tpu.memory_space<hbm>>) target_semaphore(%arg8 : memref<!tpu.dma_semaphore, #tpu.memory_space<semaphore_mem>>)
    %dma_start3A_14 = arith.constant 0 : i32
    %dma_start3A_15 = tpu.memref_slice %arg7[%mul3A_2, %dma_start3A_14] : memref<100000x128xf32, #tpu.memory_space<hbm>> -> memref<512x128xf32, #tpu.memory_space<hbm>>
    %dma_start3A_16 = arith.constant 0 : i32
    %dma_start3A_17 = tpu.memref_slice %arg3[%mul3A_2, %dma_start3A_16] : memref<16384x128xf32, #tpu.memory_space<hbm>> -> memref<512x128xf32, #tpu.memory_space<hbm>>
    tpu.enqueue_dma source(%dma_start3A_17 : memref<512x128xf32, #tpu.memory_space<hbm>>) target(%dma_start3A_15 : memref<512x128xf32, #tpu.memory_space<hbm>>) target_semaphore(%arg9 : memref<!tpu.dma_semaphore, #tpu.memory_space<semaphore_mem>>)
    %dma_start3A_18 = arith.constant 0 : i32
    %dma_start3A_19 = tpu.memref_slice %arg6[%add3A_6, %dma_start3A_18] : memref<100000x128xf32, #tpu.memory_space<hbm>> -> memref<2608x128xf32, #tpu.memory_space<hbm>>
    %dma_start3A_20 = arith.constant 0 : i32
    %dma_start3A_21 = tpu.memref_slice %arg4[%add3A_6, %dma_start3A_20] : memref<100000x128xf32, #tpu.memory_space<hbm>> -> memref<2608x128xf32, #tpu.memory_space<hbm>>
    tpu.enqueue_dma source(%dma_start3A_21 : memref<2608x128xf32, #tpu.memory_space<hbm>>) target(%dma_start3A_19 : memref<2608x128xf32, #tpu.memory_space<hbm>>) target_semaphore(%arg10 : memref<!tpu.dma_semaphore, #tpu.memory_space<semaphore_mem>>)
    %dma_start3A_22 = arith.constant 0 : i32
    %dma_start3A_23 = tpu.memref_slice %arg7[%add3A_6, %dma_start3A_22] : memref<100000x128xf32, #tpu.memory_space<hbm>> -> memref<2608x128xf32, #tpu.memory_space<hbm>>
    %dma_start3A_24 = arith.constant 0 : i32
    %dma_start3A_25 = tpu.memref_slice %arg5[%add3A_6, %dma_start3A_24] : memref<100000x128xf32, #tpu.memory_space<hbm>> -> memref<2608x128xf32, #tpu.memory_space<hbm>>
    tpu.enqueue_dma source(%dma_start3A_25 : memref<2608x128xf32, #tpu.memory_space<hbm>>) target(%dma_start3A_23 : memref<2608x128xf32, #tpu.memory_space<hbm>>) target_semaphore(%arg11 : memref<!tpu.dma_semaphore, #tpu.memory_space<semaphore_mem>>)
    %lt3A = arith.constant 20 : i32
    %lt3A_26 = arith.cmpi slt, %add3A, %lt3A : i32
    %convert_element_type3A = arith.extui %lt3A_26 : i1 to i32
    %cond3A = arith.constant 0 : i32
    %cond3A_27 = arith.cmpi ne, %convert_element_type3A, %cond3A : i32
    scf.if %cond3A_27 {
      %dma_start3A_43 = arith.constant 0 : i32
      %dma_start3A_44 = tpu.memref_slice %arg6[%add3A_10, %dma_start3A_43] : memref<100000x128xf32, #tpu.memory_space<hbm>> -> memref<8x128xf32, #tpu.memory_space<hbm>>
      %dma_start3A_45 = arith.constant 0 : i32
      %dma_start3A_46 = tpu.memref_slice %arg4[%add3A_10, %dma_start3A_45] : memref<100000x128xf32, #tpu.memory_space<hbm>> -> memref<8x128xf32, #tpu.memory_space<hbm>>
      tpu.enqueue_dma source(%dma_start3A_46 : memref<8x128xf32, #tpu.memory_space<hbm>>) target(%dma_start3A_44 : memref<8x128xf32, #tpu.memory_space<hbm>>) target_semaphore(%arg12 : memref<!tpu.dma_semaphore, #tpu.memory_space<semaphore_mem>>)
      %dma_start3A_47 = arith.constant 0 : i32
      %dma_start3A_48 = tpu.memref_slice %arg7[%add3A_10, %dma_start3A_47] : memref<100000x128xf32, #tpu.memory_space<hbm>> -> memref<8x128xf32, #tpu.memory_space<hbm>>
      %dma_start3A_49 = arith.constant 0 : i32
      %dma_start3A_50 = tpu.memref_slice %arg5[%add3A_10, %dma_start3A_49] : memref<100000x128xf32, #tpu.memory_space<hbm>> -> memref<8x128xf32, #tpu.memory_space<hbm>>
      tpu.enqueue_dma source(%dma_start3A_50 : memref<8x128xf32, #tpu.memory_space<hbm>>) target(%dma_start3A_48 : memref<8x128xf32, #tpu.memory_space<hbm>>) target_semaphore(%arg13 : memref<!tpu.dma_semaphore, #tpu.memory_space<semaphore_mem>>)
      %dma_wait3A_51 = arith.constant 0 : i32
      %dma_wait3A_52 = tpu.memref_slice %arg6[%add3A_10, %dma_wait3A_51] : memref<100000x128xf32, #tpu.memory_space<hbm>> -> memref<8x128xf32, #tpu.memory_space<hbm>>
      %dma_wait3A_53 = arith.constant 0 : i32
      %dma_wait3A_54 = tpu.memref_slice %arg4[%add3A_10, %dma_wait3A_53] : memref<100000x128xf32, #tpu.memory_space<hbm>> -> memref<8x128xf32, #tpu.memory_space<hbm>>
      tpu.wait_dma2 semaphore(%arg12 : memref<!tpu.dma_semaphore, #tpu.memory_space<semaphore_mem>>) src(%dma_wait3A_54 : memref<8x128xf32, #tpu.memory_space<hbm>>) dst(%dma_wait3A_52 : memref<8x128xf32, #tpu.memory_space<hbm>>)
      %dma_wait3A_55 = arith.constant 0 : i32
      %dma_wait3A_56 = tpu.memref_slice %arg7[%add3A_10, %dma_wait3A_55] : memref<100000x128xf32, #tpu.memory_space<hbm>> -> memref<8x128xf32, #tpu.memory_space<hbm>>
      %dma_wait3A_57 = arith.constant 0 : i32
      %dma_wait3A_58 = tpu.memref_slice %arg5[%add3A_10, %dma_wait3A_57] : memref<100000x128xf32, #tpu.memory_space<hbm>> -> memref<8x128xf32, #tpu.memory_space<hbm>>
      tpu.wait_dma2 semaphore(%arg13 : memref<!tpu.dma_semaphore, #tpu.memory_space<semaphore_mem>>) src(%dma_wait3A_58 : memref<8x128xf32, #tpu.memory_space<hbm>>) dst(%dma_wait3A_56 : memref<8x128xf32, #tpu.memory_space<hbm>>)
    } else {
    }
    %dma_wait3A = arith.constant 0 : i32
    %dma_wait3A_28 = tpu.memref_slice %arg6[%mul3A_2, %dma_wait3A] : memref<100000x128xf32, #tpu.memory_space<hbm>> -> memref<512x128xf32, #tpu.memory_space<hbm>>
    %dma_wait3A_29 = arith.constant 0 : i32
    %dma_wait3A_30 = tpu.memref_slice %arg2[%mul3A_2, %dma_wait3A_29] : memref<16384x128xf32, #tpu.memory_space<hbm>> -> memref<512x128xf32, #tpu.memory_space<hbm>>
    tpu.wait_dma2 semaphore(%arg8 : memref<!tpu.dma_semaphore, #tpu.memory_space<semaphore_mem>>) src(%dma_wait3A_30 : memref<512x128xf32, #tpu.memory_space<hbm>>) dst(%dma_wait3A_28 : memref<512x128xf32, #tpu.memory_space<hbm>>)
    %dma_wait3A_31 = arith.constant 0 : i32
    %dma_wait3A_32 = tpu.memref_slice %arg7[%mul3A_2, %dma_wait3A_31] : memref<100000x128xf32, #tpu.memory_space<hbm>> -> memref<512x128xf32, #tpu.memory_space<hbm>>
    %dma_wait3A_33 = arith.constant 0 : i32
    %dma_wait3A_34 = tpu.memref_slice %arg3[%mul3A_2, %dma_wait3A_33] : memref<16384x128xf32, #tpu.memory_space<hbm>> -> memref<512x128xf32, #tpu.memory_space<hbm>>
    tpu.wait_dma2 semaphore(%arg9 : memref<!tpu.dma_semaphore, #tpu.memory_space<semaphore_mem>>) src(%dma_wait3A_34 : memref<512x128xf32, #tpu.memory_space<hbm>>) dst(%dma_wait3A_32 : memref<512x128xf32, #tpu.memory_space<hbm>>)
    %dma_wait3A_35 = arith.constant 0 : i32
    %dma_wait3A_36 = tpu.memref_slice %arg6[%add3A_6, %dma_wait3A_35] : memref<100000x128xf32, #tpu.memory_space<hbm>> -> memref<2608x128xf32, #tpu.memory_space<hbm>>
    %dma_wait3A_37 = arith.constant 0 : i32
    %dma_wait3A_38 = tpu.memref_slice %arg4[%add3A_6, %dma_wait3A_37] : memref<100000x128xf32, #tpu.memory_space<hbm>> -> memref<2608x128xf32, #tpu.memory_space<hbm>>
    tpu.wait_dma2 semaphore(%arg10 : memref<!tpu.dma_semaphore, #tpu.memory_space<semaphore_mem>>) src(%dma_wait3A_38 : memref<2608x128xf32, #tpu.memory_space<hbm>>) dst(%dma_wait3A_36 : memref<2608x128xf32, #tpu.memory_space<hbm>>)
    %dma_wait3A_39 = arith.constant 0 : i32
    %dma_wait3A_40 = tpu.memref_slice %arg7[%add3A_6, %dma_wait3A_39] : memref<100000x128xf32, #tpu.memory_space<hbm>> -> memref<2608x128xf32, #tpu.memory_space<hbm>>
    %dma_wait3A_41 = arith.constant 0 : i32
    %dma_wait3A_42 = tpu.memref_slice %arg5[%add3A_6, %dma_wait3A_41] : memref<100000x128xf32, #tpu.memory_space<hbm>> -> memref<2608x128xf32, #tpu.memory_space<hbm>>
    tpu.wait_dma2 semaphore(%arg11 : memref<!tpu.dma_semaphore, #tpu.memory_space<semaphore_mem>>) src(%dma_wait3A_42 : memref<2608x128xf32, #tpu.memory_space<hbm>>) dst(%dma_wait3A_40 : memref<2608x128xf32, #tpu.memory_space<hbm>>)
    return
  }
}

</mosaic_0001>

<sc_bundles>
// kernel: kernel.3.cloned.1.call-start
scs
__scs_entry_jumppad:
0x0: {  	(pc) =	sbr.rel $0x88, $3  }
0x1: {  	(tag) =	ssettag $0x0;
	lr =	simm.s32 $0x1  }
0x2: {  	[smem:$0x3F9D] =	sst lr;
	_ =	strace $0xD0000000  }
0x3: {  	_ = 	snop  }
0x4: {  	_ = 	snop  }
0x5: {  	_ = 	snop  }
0x6: {  	_ = 	snop  }
0x7: {  	_ = 	snop  }
__scs_overlays_trampoline_lowered:
0x8: {  	[smem:$0x3FAC] =	sst s0  }
0x9: {  	[smem:$0x3FAD] =	sst s1  }
0xa: {  	[smem:$0x3FAE] =	sst s2  }
0xb: {  	[smem:$0x3FAF] =	sst s3  }
0xc: {  	[smem:$0x3FB0] =	sst s4  }
0xd: {  	[smem:$0x3FB1] =	sst s5  }
0xe: {  	[smem:$0x3FB2] =	sst s6  }
0xf: {  	[smem:$0x3FB3] =	sst s7  }
0x10: {  	[smem:$0x3FB4] =	sst s8  }
0x11: {  	[smem:$0x3FB5] =	sst s9;
	s0 =	simm.s32 @!p0 $0x0  }
0x12: {  	s1 =	sld [smem:$0x3F9B];
	s0 =	simm.s32 @p0 $0x1  }
0x13: {  	[smem:$0x3FB6] =	sst s0;
	s0 =	simm.s32 @!p1 $0x0  }
0x14: {  	s2 =	sld [smem:$0x3F9A];
	s0 =	simm.s32 @p1 $0x1  }
0x15: {  	[smem:$0x3FB7] =	sst s0;
	s0 =	simm.s32 @!p2 $0x0  }
0x16: {  	s3 =	sld [smem:$0x3FDB];
	s0 =	simm.s32 @p2 $0x1  }
0x17: {  	s4 =	simm.s32 $0x1BF5;
	[smem:$0x3FB9] =	sst s0  }
0x18: {  	s0 =	sld [smem:$0x3F9C];
	_ =	swait.ge [sflag:s4], $0x0  }
0x19: {  	s7 =	sld [smem:$0x3F9D]  }
0x1a: {  	s8 =	sadd.s32 $0xFFFFE003, lr  }
0x1b: {  	s9 =	sadd.s32 $0xFFFFFEF7, lr;
	s5 =	simm.s32 $0xFFFFFFFF;
	p2 =	slt.u32 s8, $0xFFFFF086  }
0x1c: {  	p1 =	slt.u32 s9, $0xF7A;
	s5 =	simm.s32 @!p2 $0x0  }
0x1d: {  	s5 =	simm.s32 @p1 $0x1;
	p0 =	seq.s32 s7, s2  }
0x1e: {  	s7 =	smul.u32 @!p0 $0xF7A, s2;
	p2 =	seq.s32 @!p0 s5, $0x0  }
0x1f: {  	s9 =	smul.u32 $0xF7A, s1;
	s8 =	simm.s32 @!p0 $0x1BF5;
	p2 =	por !p2, p0  }
0x20: {  	[sflag:s8] =	ssyncset.s32 @!p0 $0xFFFFF086;
	s6 =	sadd.s32 @!p0 s3, s7;
	s7 =	simm.s32 @!p0 $0x108  }
0x21: {  	s3 =	sadd.s32 s3, s9;
	s6 =	sadd.s32 @!p0 $0x88, s6;
	s7 =	simm.s32 @p2 $0x1082  }
0x22: {  	[simem:s7], [sflag:s8] =	dma.local @!p0 [hbm:s6], $0xF7A  }
0x23: {  	s9 =	sor.u32 $0xD0000000, s2;
	s6 =	simm.s32 $0x108;
	_ =	swait.ge @!p0 [sflag:s8], $0x0  }
0x24: {  	s3 =	sadd.s32 $0x88, s3;
	s6 =	simm.s32 @!p1 $0x1082;
	[sflag:s4] =	ssyncset.s32 $0xFFFFF086  }
0x25: {  	[simem:s6], [sflag:s4] =	dma.local [hbm:s3], $0xF7A  }
0x26: {  	[smem:$0x3F9D] =	sst s1;
	(tag) =	ssettag s2;
	_ =	strace s9  }
0x27: {  	s1 =	sld [smem:$0x3FAD]  }
0x28: {  	s2 =	sld [smem:$0x3FAE]  }
0x29: {  	s4 =	sld [smem:$0x3FB0]  }
0x2a: {  	p0 =	seq.s32 s5, $0x0;
	s5 =	sld [smem:$0x3FB1]  }
0x2b: {  	s6 =	sld [smem:$0x3FB2]  }
0x2c: {  	s7 =	sld [smem:$0x3FB3]  }
0x2d: {  	s3 =	simm.s32 $0x108;
	s8 =	sld [smem:$0x3FB4]  }
0x2e: {  	s3 =	simm.s32 @!p0 $0x1082;
	s9 =	sld [smem:$0x3FB5]  }
0x2f: {  	lr =	sadd.s32 s0, s3;
	s0 =	sld [smem:$0x3FAC]  }
0x30: {  	s3 =	sld [smem:$0x3FAF]  }
0x31: {  	[smem:$0x3FB8] =	sst s10  }
0x32: {  	s10 =	sld [smem:$0x3FB6];
	_ =	sdelay $0x3  }
0x33: {  	p0 =	seq.s32 s10, $0x1;
	s10 =	sld [smem:$0x3FB8];
	_ =	sdelay $0x3  }
0x34: {  	[smem:$0x3FB8] =	sst s10  }
0x35: {  	s10 =	sld [smem:$0x3FB7];
	_ =	sdelay $0x3  }
0x36: {  	p1 =	seq.s32 s10, $0x1;
	s10 =	sld [smem:$0x3FB8];
	_ =	sdelay $0x3  }
0x37: {  	[smem:$0x3FB8] =	sst s10  }
0x38: {  	s10 =	sld [smem:$0x3FB9]  }
0x39: {  	_ = 	snop;
	(pc) =	sbr.ind lr, $3  }
0x3a: {  	_ = 	snop  }
0x3b: {  	_ = 	snop  }
0x3c: {  	p2 =	seq.s32 s10, $0x1;
	s10 =	sld [smem:$0x3FB8]  }
0x3d: {  	_ =	shalt  }
0x3e: {  	_ =	shalt  }
0x3f: {  	_ =	shalt  }
0x40: {  	_ =	shalt  }
0x41: {  	_ =	shalt  }
0x42: {  	_ =	shalt  }
0x43: {  	_ =	shalt  }
0x44: {  	_ =	shalt  }
0x45: {  	_ =	shalt  }
0x46: {  	_ =	shalt  }
0x47: {  	_ =	shalt  }
0x48: {  	_ =	shalt  }
0x49: {  	_ =	shalt  }
0x4a: {  	_ =	shalt  }
0x4b: {  	_ =	shalt  }
0x4c: {  	_ =	shalt  }
0x4d: {  	_ =	shalt  }
0x4e: {  	_ =	shalt  }
0x4f: {  	_ =	shalt  }
0x50: {  	_ =	shalt  }
0x51: {  	_ =	shalt  }
0x52: {  	_ =	shalt  }
0x53: {  	_ =	shalt  }
0x54: {  	_ =	shalt  }
0x55: {  	_ =	shalt  }
0x56: {  	_ =	shalt  }
0x57: {  	_ =	shalt  }
0x58: {  	_ =	shalt  }
0x59: {  	_ =	shalt  }
0x5a: {  	_ =	shalt  }
0x5b: {  	_ =	shalt  }
0x5c: {  	_ =	shalt  }
0x5d: {  	_ =	shalt  }
0x5e: {  	_ =	shalt  }
0x5f: {  	_ =	shalt  }
0x60: {  	_ =	shalt  }
0x61: {  	_ =	shalt  }
0x62: {  	_ =	shalt  }
0x63: {  	_ =	shalt  }
0x64: {  	_ =	shalt  }
0x65: {  	_ =	shalt  }
0x66: {  	_ =	shalt  }
0x67: {  	_ =	shalt  }
0x68: {  	_ =	shalt  }
0x69: {  	_ =	shalt  }
0x6a: {  	_ =	shalt  }
0x6b: {  	_ =	shalt  }
0x6c: {  	_ =	shalt  }
0x6d: {  	_ =	shalt  }
0x6e: {  	_ =	shalt  }
0x6f: {  	_ =	shalt  }
0x70: {  	_ =	shalt  }
0x71: {  	_ =	shalt  }
0x72: {  	_ =	shalt  }
0x73: {  	_ =	shalt  }
0x74: {  	_ =	shalt  }
0x75: {  	_ =	shalt  }
0x76: {  	_ =	shalt  }
0x77: {  	_ =	shalt  }
0x78: {  	_ =	shalt  }
0x79: {  	_ =	shalt  }
0x7a: {  	_ =	shalt  }
0x7b: {  	_ =	shalt  }
0x7c: {  	_ =	shalt  }
0x7d: {  	_ =	shalt  }
0x7e: {  	_ =	shalt  }
0x7f: {  	_ =	shalt  }
0x80: {  	_ =	shalt  }
0x81: {  	_ =	shalt  }
0x82: {  	_ =	shalt  }
0x83: {  	_ =	shalt  }
0x84: {  	_ =	shalt  }
0x85: {  	_ =	shalt  }
0x86: {  	_ =	shalt  }
0x87: {  	_ =	shalt  }
.Lfunc_end0:
.L_simem_size_0:
called_computation_lowered:
.L_overlay_start_0:
0x88: {  	s2 =	sld [smem:$0x3FD9]  }
0x89: {  	s3 =	sld [smem:$0x3FFE];
	_ =	sdelay $0x1  }
0x8a: {  	s1 =	srdreg.scid  }
0x8b: {  	s0 =	sand.u32 $0x1, s1  }
0x8c: {  	s15 =	sshll.u32 s0, $0xA;
	s2 =	sadd.s32 s3, s2  }
0x8d: {  	s2 =	sadd.s32 s2, s15  }
0x8e: {  	[smem:$0x3FC4] =	sst s2  }
0x8f: {  	_ = 	snop  }
0x90: {  	s2 =	sld [smem:$0x3FC9]  }
0x91: {  	s16 =	sld [smem:$0x3FD0]  }
0x92: {  	s4 =	sld [smem:$0x3FC8]  }
0x93: {  	s5 =	sld [smem:$0x3FC7]  }
0x94: {  	s7 =	simm.s32 $0xA;
	s8 =	simm.s32 $0x10;
	s6 =	sld [smem:$0x3FC6]  }
0x95: {  	[smem:s8], [sflag:s7] =	dma.local [hbm:s16], $0x1  }
0x96: {  	_ =	swait.eq [sflag:s7], $0x1  }
0x97: {  	[sflag:s7] =	ssyncset.done $0x0  }
0x98: {  	s17 =	sld [smem:$0x10];
	[sflag:s7] =	ssyncadd.s32 $0xFFFFFFFF  }
0x99: {  	s18 =	sld [smem:$0x11];
	(tm) =	ssettm $0x1  }
0x9a: {  	s19 =	sld [smem:$0x3FFB];
	_ =	sdelay $0x3  }
0x9b: {  	_ =	strace s19  }
0x9c: {  	s8 =	sld [smem:$0x3FFC];
	_ =	sdelay $0x3  }
0x9d: {  	_ =	strace s8  }
0x9e: {  	s8 =	sld [smem:$0x3FFD];
	_ =	sdelay $0x3  }
0x9f: {  	_ =	strace s8  }
0xa0: {  	_ =	strace $0x8FFFFFFF  }
0xa1: {  	s20 =	sld [smem:$0x3FDB];
	_ =	sdelay $0x1  }
0xa2: {  	s9 =	simm.s32 $_scs_section_size  }
0xa3: {  	s10 =	simm.s32 $_size__tile_overlayer_lowered;
	s11 =	simm.s32 $_tile_overlayer_lowered  }
0xa4: {  	s23 =	simm.s32 $0x1BFF;
	s22 =	sshll.u32 s11, $0x1;
	s8 =	sadd.s32 s9, s20  }
0xa5: {  	s12 =	simm.s32 $0x0;
	s21 =	sshll.u32 s10, $0x1;
	s10 =	sadd.s32 s22, s8  }
0xa6: {  	[timem:s12], [sflag:s23] =	dma.local [hbm:s10], s21  }
0xa7: {  	_ =	swait.ge [sflag:s23], s21  }
0xa8: {  	s9 =	ssub.s32 $0x0, s21;
	[sflag:s23] =	ssyncset.done $0x0  }
0xa9: {  	[sflag:s23] =	ssyncadd.s32 s9;
	_ =	sdelay $0x1  }
0xaa: {  	s24 =	simm.s32 $0x1B8B  }
0xab: {  	_ =	swait.ge [sflag:s24], $0x1  }
0xac: {  	[sflag:s24] =	ssyncset.done $0x0  }
0xad: {  	s25 =	simm.s32 $0x1B8E;
	[sflag:s24] =	ssyncadd.s32 $0xFFFFFFFF  }
0xae: {  	s26 =	simm.s32 $execute0_lowered;
	[smem:$0x3FD2] =	sst s25  }
0xaf: {  	s9 =	sshll.u32 s26, $0x1;
	_ =	strace $0x80000046;
	[dreg:$0x1] =	wrdreg $0xFFFFFFFF  }
0xb0: {  	s28 =	simm.s32 $_size_execute0_lowered;
	s8 =	sadd.s32 s8, s9;
	[dreg:$0x0] =	wrdreg $0x0  }
0xb1: {  	s9 =	sshll.u32 s28, $0x1;
	[dreg:$0x2] =	wrdreg s8  }
0xb2: {  	[dreg:$0x3] =	wrdreg s9  }
0xb3: {  	[dreg:$0x4] =	wrdreg $0xC0  }
0xb4: {  	_ =	task [dreg:s12], $0x5FFFF  }
0xb5: {  	[dreg:$0x1] =	wrdreg $0xFFFFFFFF  }
0xb6: {  	[dreg:$0x0] =	wrdreg $0x60  }
0xb7: {  	[dreg:$0x2] =	wrdreg s2  }
0xb8: {  	[dreg:$0x3] =	wrdreg s4  }
0xb9: {  	[dreg:$0x4] =	wrdreg s5  }
0xba: {  	[dreg:$0x5] =	wrdreg s6  }
0xbb: {  	[dreg:$0x6] =	wrdreg s17  }
0xbc: {  	[dreg:$0x7] =	wrdreg s18  }
0xbd: {  	[dreg:$0x8] =	wrdreg $0x9  }
0xbe: {  	_ =	task.clear_ibuf [dreg:s12], $0x9FFFF;
	_ =	strace $0x90000046  }
0xbf: {  	s29 =	simm.s32 $0x9;
	_ =	strace $0x80000048  }
0xc0: {  	_ =	swait.ge [sflag:s29], $0x1  }
0xc1: {  	[sflag:s29] =	ssyncadd.s32 $0xFFFFFFFF  }
0xc2: {  	_ =	strace $0x90000048  }
0xc3: {  	_ =	sfence  }
0xc4: {  	s30 =	sld [smem:$0x0];
	_ =	sdelay $0x2  }
0xc5: {  	s31 =	sshll.u32 s1, $0xD;
	s1 =	sshrl.u32 s1, $0x2  }
0xc6: {  	s3 =	sand.u32 $0x4000, s31;
	s1 =	sadd.s32 s1, s30  }
0xc7: {  	s0 =	sor.u32 s3, s0;
	s1 =	sshll.u32 s1, $0x11  }
0xc8: {  	s0 =	sor.u32 s1, s0  }
0xc9: {  	s0 =	sadd.s32 $0x8F2B, s0  }
0xca: {  	[sflag:s0] =	ssyncadd.remote.s32 $0x1  }
0xcb: {  	_ =	sfence.sel $0xFFFF  }
0xcc: {  	[dreg:$0x0] =	wrdreg $0xFFFFFFFF;
	(pc) =	sbr.abs _section_cstart, $3  }
0xcd: {  	[dreg:$0x1] =	wrdreg $0xFFFFFFFF  }
0xce: {  	_ =	task.clear_ibuf [dreg:s12], $0x2FFFF;
	_ =	strace $0x9FFFFFFF  }
0xcf: {  	(tm) =	ssettm $0x7FFFFFFF  }
tec
execute0_lowered:
.L_overlay_start_1:
0x0: {  	(tag) =	ssettag $0x1  }
0x1: {  	s2 =	rddreg [dreg:$0x0]  }
0x2: {  	s5 =	rddreg [dreg:$0x1]  }
0x3: {  	s11 =	rddreg [dreg:$0x2]  }
0x4: {  	s13 =	rddreg [dreg:$0x3]  }
0x5: {  	s12 =	rddreg [dreg:$0x4];
	s1 =	srdreg.scid  }
0x6: {  	s0 =	stileid.u32;
	s14 =	rddreg [dreg:$0x5]  }
0x7: {  	s4 =	simm.s32 $0x0;
	s24 =	sand.u32 $0x1, s1;
	s1 =	rddreg [dreg:$0x6]  }
0x8: {  	s3 =	sshll.u32 s0, $0x1;
	[smem:$0x7FF] =	sst s4  }
0x9: {  	s17 =	sshll.u32 s0, $0x6;
	p0 =	sgt.u32 s0, $0x9;
	s9 =	sor.u32 s24, s3  }
0xa: {  	_ =	strace $0x80000047;
	s4 =	sor.u32 $0x1C01, s17;
	s16 =	sor.u32 $0x1C03, s17  }
0xb: {  	s19 =	sshll.u32 @!p0 s0, $0x6;
	s20 =	simm.s32 @!p0 $0x5;
	s7 =	smul.u32 $0x51800, s9  }
0xc: {  	s6 =	sshll.u32 s9, $0xD;
	s15 =	sshll.u32 s9, $0x7;
	s18 =	sor.u32 @!p0 $0x1C05, s19  }
0xd: {  	s2 =	sadd.s32 s2, s6;
	s3 =	sadd.s32 s12, s6;
	s7 =	sshrl.u32 s7, $0x3  }
0xe: {  	[hbm:s3], [sflag:s4] =	dma.local [hbm:s2], $0x2000  }
0xf: {  	s19 =	sor.u32 @!p0 $0x1C06, s19;
	s5 =	sadd.s32 s5, s6;
	s10 =	sadd.s32 $0x40000, s7  }
0x10: {  	s6 =	sadd.s32 s14, s6;
	s15 =	sor.u32 $0x186000, s15;
	s7 =	sadd.s32 s11, s10  }
0x11: {  	s8 =	sadd.s32 s12, s10;
	s9 =	sadd.s32 s13, s10;
	s10 =	sadd.s32 s14, s10  }
0x12: {  	s11 =	sadd.s32 s11, s15;
	s12 =	sadd.s32 s12, s15;
	s13 =	sadd.s32 s13, s15  }
0x13: {  	s14 =	sadd.s32 s14, s15;
	s15 =	sor.u32 $0x1C02, s17;
	s17 =	sor.u32 $0x1C04, s17  }
0x14: {  	[hbm:s6], [sflag:s15] =	dma.local [hbm:s5], $0x2000  }
0x15: {  	[hbm:s8], [sflag:s16] =	dma.local [hbm:s7], $0xA300  }
0x16: {  	[hbm:s10], [sflag:s17] =	dma.local [hbm:s9], $0xA300  }
0x17: {  	[hbm:s12], [sflag:s18] =	dma.local @!p0 [hbm:s11], $0x80  }
0x18: {  	[hbm:s14], [sflag:s19] =	dma.local @!p0 [hbm:s13], $0x80  }
0x19: {  	_ =	swait.ge @!p0 [sflag:s20], $0x80  }
0x1a: {  	[sflag:s20] =	ssyncset.done @!p0 $0x0  }
0x1b: {  	s21 =	simm.s32 @!p0 $0x6;
	[sflag:s20] =	ssyncadd.s32 @!p0 $0xFFFFFF80  }
0x1c: {  	_ =	swait.ge @!p0 [sflag:s21], $0x80  }
0x1d: {  	[sflag:s21] =	ssyncset.done @!p0 $0x0  }
0x1e: {  	s22 =	simm.s32 $0x1;
	[sflag:s21] =	ssyncadd.s32 @!p0 $0xFFFFFF80  }
0x1f: {  	s25 =	ssub.s32 $0x2, s24;
	_ =	swait.ge [sflag:s22], $0x2000  }
0x20: {  	s26 =	sshrl.u32 s25, $0x1;
	[sflag:s22] =	ssyncset.done $0x0  }
0x21: {  	s23 =	simm.s32 $0x2;
	s25 =	ssub.s32 s25, s26;
	[sflag:s22] =	ssyncadd.s32 $0xFFFFE000  }
0x22: {  	s25 =	smax.u32 s25, $0x1;
	_ =	swait.ge [sflag:s23], $0x2000  }
0x23: {  	s25 =	sadd.s32 $0xFFFFFFFF, s25;
	[sflag:s23] =	ssyncset.done $0x0  }
0x24: {  	s24 =	simm.s32 $0x3;
	p1 =	sne.s32 s25, $0x0;
	[sflag:s23] =	ssyncadd.s32 $0xFFFFE000  }
.Ltmp0:
0x25: {  	_ =	swait.ge [sflag:s24], $0xA300;
	(pc) =	sbr.rel @!p1 .LBB2_2-.Ltmp0, $4  }
0x26: {  	[sflag:s24] =	ssyncset.done $0x0  }
0x27: {  	s26 =	simm.s32 $0x4;
	[sflag:s24] =	ssyncadd.s32 $0xFFFF5D00  }
0x28: {  	_ =	swait.ge [sflag:s26], $0xA300  }
0x29: {  	[sflag:s26] =	ssyncset.done $0x0  }
.LBB2_1:
0x2a: {  	[sflag:s26] =	ssyncadd.s32 $0xFFFF5D00  }
0x2b: {  	[hbm:s3], [sflag:s4] =	dma.local [hbm:s2], $0x2000  }
0x2c: {  	[hbm:s6], [sflag:s15] =	dma.local [hbm:s5], $0x2000  }
0x2d: {  	[hbm:s8], [sflag:s16] =	dma.local [hbm:s7], $0xA300  }
0x2e: {  	[hbm:s10], [sflag:s17] =	dma.local [hbm:s9], $0xA300  }
0x2f: {  	[hbm:s12], [sflag:s18] =	dma.local @!p0 [hbm:s11], $0x80  }
0x30: {  	[hbm:s14], [sflag:s19] =	dma.local @!p0 [hbm:s13], $0x80  }
0x31: {  	s25 =	sadd.s32 $0xFFFFFFFF, s25;
	_ =	swait.ge @!p0 [sflag:s20], $0x80  }
0x32: {  	p1 =	sne.s32 s25, $0x0;
	[sflag:s20] =	ssyncset.done @!p0 $0x0  }
0x33: {  	[sflag:s20] =	ssyncadd.s32 @!p0 $0xFFFFFF80  }
0x34: {  	_ =	swait.ge @!p0 [sflag:s21], $0x80  }
0x35: {  	[sflag:s21] =	ssyncset.done @!p0 $0x0  }
0x36: {  	[sflag:s21] =	ssyncadd.s32 @!p0 $0xFFFFFF80  }
0x37: {  	_ =	swait.ge [sflag:s22], $0x2000  }
0x38: {  	[sflag:s22] =	ssyncset.done $0x0  }
0x39: {  	[sflag:s22] =	ssyncadd.s32 $0xFFFFE000  }
0x3a: {  	_ =	swait.ge [sflag:s23], $0x2000  }
0x3b: {  	[sflag:s23] =	ssyncset.done $0x0  }
0x3c: {  	[sflag:s23] =	ssyncadd.s32 $0xFFFFE000  }
.Ltmp1:
0x3d: {  	_ =	swait.ge [sflag:s24], $0xA300;
	(pc) =	sbr.rel @p1 .LBB2_1-.Ltmp1, $4  }
0x3e: {  	[sflag:s24] =	ssyncset.done $0x0  }
0x3f: {  	[sflag:s24] =	ssyncadd.s32 $0xFFFF5D00  }
0x40: {  	_ =	swait.ge [sflag:s26], $0xA300  }
0x41: {  	[sflag:s26] =	ssyncset.done $0x0  }
.LBB2_2:
0x42: {  	[sflag:s26] =	ssyncadd.s32 $0xFFFF5D00  }
0x43: {  	_ =	sfence.sel $0x180000  }
0x44: {  	[bflag:$0x0] =	sbarrier.arrive $0xFFFF  }
0x45: {  	p0 =	sne.s32 s0, $0x0;
	_ =	strace $0x90000047  }
0x46: {  	s0 =	sadd.s32 @!p0 $0x100000, s1;
	[bflag:$0x2] =	sbarrier.arrive $0xFFFF  }
0x47: {  	[sflag:s0] =	ssyncadd.tile.s32 @!p0 $0x1;
	_ =	shalt  }
.Lfunc_end2:
_tile_overlayer_lowered:
.L_overlay_start_2:
0x48: {  	(tag) =	ssettag $0x2  }
0x49: {  	s0 =	rddreg [dreg:$0x0];
	s2 =	stileid.u32  }
0x4a: {  	s1 =	rddreg [dreg:$0x1];
	p0 =	sne.s32 s2, $0x0  }
0x4b: {  	s3 =	rddreg [dreg:$0x2];
	[bflag:$0x3] =	sbarrier.arrive $0xFFFF;
	s2 =	simm.s32 @!p0 $0x1C07  }
0x4c: {  	[timem:s3], [sflag:s2] =	dma.local @!p0 [hbm:s0], s1  }
0x4d: {  	s0 =	simm.s32 @!p0 $0x7  }
0x4e: {  	_ =	swait.ge @!p0 [sflag:s0], s1  }
0x4f: {  	s1 =	ssub.s32 @!p0 $0x0, s1;
	[sflag:s0] =	ssyncset.done @!p0 $0x0  }
0x50: {  	[sflag:s0] =	ssyncadd.s32 @!p0 s1  }
0x51: {  	[bflag:$0x3] =	sbarrier.arrive $0xFFFF  }
0x52: {  	_ =	shalt  }

</sc_bundles>
